<compile_context>
chip_gen: v7x
topology: tpu7x:2x2x1
jax: 0.10.2.dev20260603
libtpu: 0.0.44.dev20260713+nightly
codegen_flags: <defaults>
</compile_context>

<pallas_src>
import functools

import jax
import jax.numpy as jnp
from jax import lax
from jax.experimental import pallas as pl
from jax.experimental.pallas import tpu as pltpu
from jax.experimental.pallas import tpu_sc as plsc

NNODES = 10000
D = 128
NC = 2
NS = 16
NTILES = NC * NS
CHD = 128
NPAD = 10112
RPT = NPAD // NS
RPB = 2528
NBLK = NPAD // RPB


def _sc_mesh():
    return plsc.VectorSubcoreMesh(core_axis_name="c", subcore_axis_name="s")


def _row_chunks(total, step):
    out = []
    q0 = 0
    while q0 < total:
        out.append((q0, min(step, total - q0)))
        q0 += step
    return out


def _chunk_bounds(nch):
    return [8 * (nch * w // (NTILES * 8)) for w in range(NTILES + 1)]



@functools.partial(jax.jit, static_argnums=(1, 2, 3))
def _deg_call(ei3, nch8, max_n, rem):
    @functools.partial(
        pl.kernel,
        out_type=jax.ShapeDtypeStruct((NC * NPAD,), jnp.float32),
        mesh=_sc_mesh(),
        scratch_types=[
            pltpu.VMEM((max_n, 2, CHD), jnp.int32),
            pltpu.VMEM((CHD,), jnp.float32),
            pltpu.VMEM((RPT,), jnp.float32),
            pltpu.VMEM_SHARED((NPAD,), jnp.float32),
            pltpu.SemaphoreType.DMA,
        ],
    )
    def deg_kernel(ei_hbm, zrow_hbm, ones_hbm, out_hbm, eidx, ones_v,
                   stage_v, acc_sh, dsem):
        c = lax.axis_index("c")
        s = lax.axis_index("s")
        w = c * NS + s
        rw = 8 * ((nch8 * w) // (NTILES * 8))
        rw1 = 8 * ((nch8 * (w + 1)) // (NTILES * 8))
        n_w = rw1 - rw
        ld_ones = pltpu.make_async_copy(ones_hbm, ones_v, dsem)
        ld_idx = pltpu.make_async_copy(ei_hbm.at[pl.ds(rw, max_n)], eidx,
                                       dsem)
        ld_ones.start()
        ld_idx.start()
        pltpu.sync_copy(zrow_hbm, stage_v)
        pltpu.sync_copy(stage_v, acc_sh.at[pl.ds(s * RPT, RPT)])
        ld_ones.wait()
        ld_idx.wait()
        plsc.subcore_barrier()

        def body(j, carry):
            pltpu.async_copy(ones_v, acc_sh.at[eidx.at[j, 1]], dsem,
                             add=True)
            return carry

        lax.fori_loop(0, n_w, body, 0)

        def drain(j, carry):
            pltpu.make_async_copy(ones_v, acc_sh.at[eidx.at[0, 1]],
                                  dsem).wait()
            return carry

        lax.fori_loop(0, n_w, drain, 0)

        if rem:
            @pl.when(w < rem)
            def _tail():
                pltpu.sync_copy(ei_hbm.at[nch8 + w], eidx.at[0])
                pltpu.async_copy(ones_v, acc_sh.at[eidx.at[0, 1]], dsem,
                                 add=True)
                pltpu.make_async_copy(ones_v, acc_sh.at[eidx.at[0, 1]],
                                      dsem).wait()

        plsc.subcore_barrier()
        pltpu.sync_copy(acc_sh.at[pl.ds(s * RPT, RPT)], stage_v)
        pltpu.sync_copy(stage_v, out_hbm.at[pl.ds(c * NPAD + s * RPT, RPT)])

    zrow = jnp.zeros((RPT,), jnp.float32)
    ones = jnp.ones((CHD,), jnp.float32)
    return deg_kernel(ei3, zrow, ones)


@functools.partial(jax.jit, static_argnums=(2, 3))
def _agg_call(hp, ei3, nch8, rem):
    wb_chunks = _row_chunks(RPT, CHD)

    @functools.partial(
        pl.kernel,
        out_type=jax.ShapeDtypeStruct((NC * NPAD, D), jnp.float32),
        mesh=_sc_mesh(),
        scratch_types=[
            pltpu.VMEM((3, 2, CHD), jnp.int32),
            pltpu.VMEM((3, CHD, D), jnp.float32),
            pltpu.VMEM_SHARED((NPAD, D), jnp.float32),
        ] + [pltpu.SemaphoreType.DMA] * 9,
    )
    def agg_kernel(hp_hbm, ei_hbm, zrows_hbm, out_hbm,
                   eidx, rows, acc_sh,
                   g0, g1, g2, t0, t1, t2, d0, d1, d2):
        gs = (g0, g1, g2)
        ts = (t0, t1, t2)
        ds_ = (d0, d1, d2)
        c = lax.axis_index("c")
        s = lax.axis_index("s")
        w = c * NS + s
        r0 = s * RPT
        rw = 8 * ((nch8 * w) // (NTILES * 8))
        rw1 = 8 * ((nch8 * (w + 1)) // (NTILES * 8))
        n_w = rw1 - rw

        pltpu.sync_copy(zrows_hbm, rows.at[0])

        def _zinit(i, phase):
            q0, qn = wb_chunks[i]
            cp = pltpu.make_async_copy(rows.at[0, pl.ds(0, qn)],
                                       acc_sh.at[pl.ds(r0 + q0, qn), :],
                                       ds_[i % 3])
            cp.start() if phase == 0 else cp.wait()

        for i in range(len(wb_chunks)):
            _zinit(i, 0)
        for i in range(len(wb_chunks)):
            _zinit(i, 1)
        plsc.subcore_barrier()

        def eidx_cp(j, e):
            return pltpu.make_async_copy(ei_hbm.at[rw + j], eidx.at[e],
                                         ds_[e])

        def gather_cp(e, b):
            return pltpu.make_async_copy(hp_hbm.at[eidx.at[e, 0]],
                                         rows.at[b], gs[b])

        def scat_start(e, b):
            pltpu.async_copy(rows.at[b], acc_sh.at[eidx.at[e, 1]], ts[b],
                             add=True)

        def scat_wait(b):
            pltpu.make_async_copy(rows.at[b], acc_sh.at[eidx.at[0, 1]],
                                  ts[b]).wait()

        eidx_cp(0, 0).start()
        eidx_cp(1, 1).start()
        eidx_cp(0, 0).wait()
        gather_cp(0, 0).start()
        eidx_cp(1, 1).wait()
        gather_cp(1, 1).start()

        def body(jj, carry):
            for b in (0, 1, 2):
                j = jj * 3 + b
                b2 = (b + 2) % 3

                @pl.when(j < n_w)
                def _process():
                    @pl.when(j + 2 < n_w)
                    def _free_and_prefetch():
                        @pl.when(j >= 1)
                        def _w():
                            scat_wait(b2)
                        eidx_cp(j + 2, b2).start()

                    gather_cp(b, b).wait()
                    scat_start(b, b)

                    @pl.when(j + 2 < n_w)
                    def _gather_next():
                        eidx_cp(j + 2, b2).wait()
                        gather_cp(b2, b2).start()
            return carry

        lax.fori_loop(0, (n_w + 2) // 3, body, 0)
        for b in (0, 1, 2):
            scat_wait(b)

        if rem:
            @pl.when(w < rem)
            def _tail():
                pltpu.sync_copy(ei_hbm.at[nch8 + w], eidx.at[0])
                gather_cp(0, 0).start()
                gather_cp(0, 0).wait()
                scat_start(0, 0)
                scat_wait(0)

        plsc.subcore_barrier()

        def wb(i, phase):
            q0, qn = wb_chunks[i]
            b = i % 2
            cp = pltpu.make_async_copy(
                rows.at[b, pl.ds(0, qn)],
                out_hbm.at[pl.ds(c * NPAD + r0 + q0, qn), :], gs[b])
            if phase == 0:
                pltpu.sync_copy(acc_sh.at[pl.ds(r0 + q0, qn), :],
                                rows.at[b, pl.ds(0, qn)])
                cp.start()
            else:
                cp.wait()

        for i in range(len(wb_chunks)):
            if i >= 2:
                wb(i - 2, 1)
            wb(i, 0)
        for i in range(max(0, len(wb_chunks) - 2), len(wb_chunks)):
            wb(i, 1)

    zrows = jnp.zeros((CHD, D), jnp.float32)
    return agg_kernel(hp, ei3, zrows)



def _tc1_body(x_ref, w_ref, d0_ref, d1_ref, out_ref, dinv_ref):
    dinv = lax.rsqrt(d0_ref[...] + d1_ref[...] + 1.0)
    dinv_ref[...] = dinv
    h = jnp.dot(x_ref[...], w_ref[...], preferred_element_type=jnp.float32)
    out_ref[...] = h * dinv


def _tc1(x, w1, deg_col):
    return pl.pallas_call(
        _tc1_body,
        grid=(NBLK,),
        in_specs=[
            pl.BlockSpec((RPB, D), lambda i: (i, 0)),
            pl.BlockSpec((D, D), lambda i: (0, 0)),
            pl.BlockSpec((RPB, 1), lambda i: (i, 0)),
            pl.BlockSpec((RPB, 1), lambda i: (i + NBLK, 0)),
        ],
        out_specs=[
            pl.BlockSpec((RPB, D), lambda i: (i, 0)),
            pl.BlockSpec((RPB, 1), lambda i: (i, 0)),
        ],
        out_shape=[
            jax.ShapeDtypeStruct((NPAD, D), jnp.float32),
            jax.ShapeDtypeStruct((NPAD, 1), jnp.float32),
        ],
    )(x, w1, deg_col, deg_col)


def _tc2_body(a0_ref, a1_ref, hp_ref, dinv_ref, b_ref, w_ref, out_ref):
    pre = dinv_ref[...] * (a0_ref[...] + a1_ref[...] + hp_ref[...]) + b_ref[...]
    x2 = jnp.maximum(pre, 0.0)
    h = jnp.dot(x2, w_ref[...], preferred_element_type=jnp.float32)
    out_ref[...] = h * dinv_ref[...]


def _tc2(g1, h1p, dinv_col, b1v, w2):
    return pl.pallas_call(
        _tc2_body,
        grid=(NBLK,),
        in_specs=[
            pl.BlockSpec((RPB, D), lambda i: (i, 0)),
            pl.BlockSpec((RPB, D), lambda i: (i + NBLK, 0)),
            pl.BlockSpec((RPB, D), lambda i: (i, 0)),
            pl.BlockSpec((RPB, 1), lambda i: (i, 0)),
            pl.BlockSpec((D,), lambda i: (0,)),
            pl.BlockSpec((D, D), lambda i: (0, 0)),
        ],
        out_specs=pl.BlockSpec((RPB, D), lambda i: (i, 0)),
        out_shape=jax.ShapeDtypeStruct((NPAD, D), jnp.float32),
    )(g1, g1, h1p, dinv_col, b1v, w2)


def _tc3_body(a0_ref, a1_ref, hp_ref, dinv_ref, b_ref, out_ref):
    pre = dinv_ref[...] * (a0_ref[...] + a1_ref[...] + hp_ref[...]) + b_ref[...]
    out_ref[...] = jnp.maximum(pre, 0.0)


def _tc3(g2, h2p, dinv_col, b2v):
    return pl.pallas_call(
        _tc3_body,
        grid=(NBLK,),
        in_specs=[
            pl.BlockSpec((RPB, D), lambda i: (i, 0)),
            pl.BlockSpec((RPB, D), lambda i: (i + NBLK, 0)),
            pl.BlockSpec((RPB, D), lambda i: (i, 0)),
            pl.BlockSpec((RPB, 1), lambda i: (i, 0)),
            pl.BlockSpec((D,), lambda i: (0,)),
        ],
        out_specs=pl.BlockSpec((RPB, D), lambda i: (i, 0)),
        out_shape=jax.ShapeDtypeStruct((NNODES, D), jnp.float32),
    )(g2, g2, h2p, dinv_col, b2v)



def kernel(x, edge_index, W1, b1, W2, b2):
    e = edge_index.shape[1]
    tot = -(-e // CHD) * CHD
    pad = tot - e
    ei = edge_index
    if pad:
        ar = jnp.arange(pad, dtype=jnp.int32)
        dummy = jnp.stack([ar % NNODES, NNODES + ar % (NPAD - NNODES)])
        ei = jnp.concatenate([ei, dummy], axis=1)
    nch = tot // CHD
    nch8 = nch // 8 * 8
    rem = nch - nch8
    bounds = _chunk_bounds(nch8)
    max_n = max(y - x for x, y in zip(bounds[:-1], bounds[1:]))
    if bounds[-2] + max_n > nch:
        raise NotImplementedError("edge count too small for this layout")
    ei3 = ei.reshape(2, nch, CHD).transpose(1, 0, 2)

    deg2 = _deg_call(ei3, nch8, max_n, rem)
    deg_col = deg2.reshape(NC * NPAD, 1)

    h1p, dinv_col = _tc1(x, W1, deg_col)
    g1 = _agg_call(h1p, ei3, nch8, rem)
    h2p = _tc2(g1, h1p, dinv_col, b1, W2)
    g2 = _agg_call(h2p, ei3, nch8, rem)
    return _tc3(g2, h2p, dinv_col, b2)

# --- scband reference (transcript-rebuilt; emitter-appended) ---
"""Pipeline reference for scband-paragraph-gnn-10685878632941 (READ-ONLY COPY).

The authoritative reference and input builder live on the scoring server;
editing this copy changes nothing except your own understanding.
"""

import jax, jax.numpy as jnp
import numpy as np

N = 10000
D = 128
E = 320000

def setup_inputs(seed: int = 0) -> dict:
    key = jax.random.key(seed)
    k1, k2, k3, k4 = jax.random.split(key, 4)
    x = jax.random.normal(k1, (N, D), dtype=jnp.float32)
    edge_index = jax.random.randint(k2, (2, E), 0, N, dtype=jnp.int32)
    W1 = jax.random.normal(k3, (D, D), dtype=jnp.float32) * 0.05
    b1 = jnp.zeros((D,), dtype=jnp.float32)
    W2 = jax.random.normal(k4, (D, D), dtype=jnp.float32) * 0.05
    b2 = jnp.zeros((D,), dtype=jnp.float32)
    return {"x": x, "edge_index": edge_index, "W1": W1, "b1": b1, "W2": W2, "b2": b2}

def _gcn_layer(x, edge_index, W, b):
    # GCNConv: h = D^{-1/2} (A + I) D^{-1/2} (x W) + b
    h = x @ W
    src = edge_index[0]
    dst = edge_index[1]
    loop = jnp.arange(N, dtype=edge_index.dtype)
    s = jnp.concatenate([src, loop])
    d = jnp.concatenate([dst, loop])
    deg = jnp.zeros((N,), dtype=h.dtype).at[d].add(1.0)
    dinv = jnp.where(deg > 0, jax.lax.rsqrt(deg), 0.0)
    norm = dinv[s] * dinv[d]
    msg = h[s] * norm[:, None]
    out = jnp.zeros_like(h).at[d].add(msg) + b
    return out

def reference(x, edge_index, W1, b1, W2, b2):
    x = jax.nn.relu(_gcn_layer(x, edge_index, W1, b1))
    x = jax.nn.relu(_gcn_layer(x, edge_index, W2, b2))
    return x

if __name__ == "__main__":
    import jax
    _d = setup_inputs()
    print(jax.jit(kernel)(*tuple(_d.values())))

</pallas_src>

<mosaic_0001>
#map = affine_map<(d0, d1) -> (0, 0, 0)>
#map1 = affine_map<(d0, d1) -> (0)>
module attributes {stable_mosaic.version = 14 : i64} {
  func.func @deg_kernel(%arg0: i32, %arg1: i32, %arg2: memref<2500x2x128xi32, #tpu.memory_space<hbm>>, %arg3: memref<632xf32, #tpu.memory_space<hbm>>, %arg4: memref<128xf32, #tpu.memory_space<hbm>>, %arg5: memref<20224xf32, #tpu.memory_space<hbm>>, %arg6: memref<80x2x128xi32, #tpu.memory_space<vmem>>, %arg7: memref<128xf32, #tpu.memory_space<vmem>>, %arg8: memref<632xf32, #tpu.memory_space<vmem>>, %arg9: memref<10112xf32, #tpu.memory_space<vmem_shared>>, %arg10: memref<!tpu.dma_semaphore, #tpu.memory_space<semaphore_mem>>) attributes {dimension_semantics = [#tpu.dimension_semantics<core_parallel>, #tpu.dimension_semantics<subcore_parallel>], iteration_bounds = array<i64: 2, 16>, scalar_prefetch = 0 : i64, scratch_operands = 5 : i64, tpu.core_type = #tpu.core_type<sc_vector_subcore>, window_params = [{transform_indices = #map}, {transform_indices = #map1}, {transform_indices = #map1}, {transform_indices = #map1}]} {
    %mul3A = arith.constant 16 : i32
    %mul3A_0 = arith.muli %arg0, %mul3A : i32
    %add3A = arith.addi %mul3A_0, %arg1 : i32
    %mul3A_1 = arith.constant 2496 : i32
    %mul3A_2 = arith.muli %mul3A_1, %add3A : i32
    %jit3A = arith.constant 256 : i32
    %div3A = arith.divsi %mul3A_2, %jit3A : i32
    %sign3A = arith.constant 0 : i32
    %sign3A_3 = arith.cmpi sgt, %mul3A_2, %sign3A : i32
    %sign3A_4 = arith.extui %sign3A_3 : i1 to i32
    %sign3A_5 = arith.constant 0 : i32
    %sign3A_6 = arith.cmpi slt, %mul3A_2, %sign3A_5 : i32
    %sign3A_7 = arith.extui %sign3A_6 : i1 to i32
    %sign3A_8 = arith.subi %sign3A_4, %sign3A_7 : i32
    %sign3A_9 = arith.constant 0 : i32
    %sign3A_10 = arith.cmpi sgt, %jit3A, %sign3A_9 : i32
    %sign3A_11 = arith.extui %sign3A_10 : i1 to i32
    %sign3A_12 = arith.constant 0 : i32
    %sign3A_13 = arith.cmpi slt, %jit3A, %sign3A_12 : i32
    %sign3A_14 = arith.extui %sign3A_13 : i1 to i32
    %sign3A_15 = arith.subi %sign3A_11, %sign3A_14 : i32
    %ne3A = arith.cmpi ne, %sign3A_8, %sign3A_15 : i32
    %rem3A = arith.remsi %mul3A_2, %jit3A : i32
    %ne3A_16 = arith.constant 0 : i32
    %ne3A_17 = arith.cmpi ne, %rem3A, %ne3A_16 : i32
    %and3A = arith.andi %ne3A, %ne3A_17 : i1
    %sub3A = arith.constant 1 : i32
    %sub3A_18 = arith.subi %div3A, %sub3A : i32
    %select_n3A = arith.select %and3A, %sub3A_18, %div3A : i32
    %mul3A_19 = arith.constant 8 : i32
    %mul3A_20 = arith.muli %mul3A_19, %select_n3A : i32
    %add3A_21 = arith.constant 1 : i32
    %add3A_22 = arith.addi %add3A, %add3A_21 : i32
    %mul3A_23 = arith.constant 2496 : i32
    %mul3A_24 = arith.muli %mul3A_23, %add3A_22 : i32
    %jit3A_25 = arith.constant 256 : i32
    %div3A_26 = arith.divsi %mul3A_24, %jit3A_25 : i32
    %sign3A_27 = arith.constant 0 : i32
    %sign3A_28 = arith.cmpi sgt, %mul3A_24, %sign3A_27 : i32
    %sign3A_29 = arith.extui %sign3A_28 : i1 to i32
    %sign3A_30 = arith.constant 0 : i32
    %sign3A_31 = arith.cmpi slt, %mul3A_24, %sign3A_30 : i32
    %sign3A_32 = arith.extui %sign3A_31 : i1 to i32
    %sign3A_33 = arith.subi %sign3A_29, %sign3A_32 : i32
    %sign3A_34 = arith.constant 0 : i32
    %sign3A_35 = arith.cmpi sgt, %jit3A_25, %sign3A_34 : i32
    %sign3A_36 = arith.extui %sign3A_35 : i1 to i32
    %sign3A_37 = arith.constant 0 : i32
    %sign3A_38 = arith.cmpi slt, %jit3A_25, %sign3A_37 : i32
    %sign3A_39 = arith.extui %sign3A_38 : i1 to i32
    %sign3A_40 = arith.subi %sign3A_36, %sign3A_39 : i32
    %ne3A_41 = arith.cmpi ne, %sign3A_33, %sign3A_40 : i32
    %rem3A_42 = arith.remsi %mul3A_24, %jit3A_25 : i32
    %ne3A_43 = arith.constant 0 : i32
    %ne3A_44 = arith.cmpi ne, %rem3A_42, %ne3A_43 : i32
    %and3A_45 = arith.andi %ne3A_41, %ne3A_44 : i1
    %sub3A_46 = arith.constant 1 : i32
    %sub3A_47 = arith.subi %div3A_26, %sub3A_46 : i32
    %select_n3A_48 = arith.select %and3A_45, %sub3A_47, %div3A_26 : i32
    %mul3A_49 = arith.constant 8 : i32
    %mul3A_50 = arith.muli %mul3A_49, %select_n3A_48 : i32
    %sub3A_51 = arith.subi %mul3A_50, %mul3A_20 : i32
    tpu.enqueue_dma source(%arg4 : memref<128xf32, #tpu.memory_space<hbm>>) target(%arg7 : memref<128xf32, #tpu.memory_space<vmem>>) target_semaphore(%arg10 : memref<!tpu.dma_semaphore, #tpu.memory_space<semaphore_mem>>)
    %dma_start3A = arith.constant 0 : i32
    %dma_start3A_52 = arith.constant 0 : i32
    %dma_start3A_53 = tpu.memref_slice %arg2[%mul3A_20, %dma_start3A, %dma_start3A_52] : memref<2500x2x128xi32, #tpu.memory_space<hbm>> -> memref<80x2x128xi32, #tpu.memory_space<hbm>>
    %dma_start3A_54 = arith.constant 0 : i32
    %dma_start3A_55 = arith.constant 0 : i32
    %dma_start3A_56 = tpu.memref_slice %arg2[%mul3A_20, %dma_start3A_54, %dma_start3A_55] : memref<2500x2x128xi32, #tpu.memory_space<hbm>> -> memref<80x2x128xi32, #tpu.memory_space<hbm>>
    tpu.enqueue_dma source(%dma_start3A_56 : memref<80x2x128xi32, #tpu.memory_space<hbm>>) target(%arg6 : memref<80x2x128xi32, #tpu.memory_space<vmem>>) target_semaphore(%arg10 : memref<!tpu.dma_semaphore, #tpu.memory_space<semaphore_mem>>)
    "tpu.region"() ({
      %run_scoped3A = tpu.sem_alloc : memref<!tpu.dma_semaphore, #tpu.memory_space<semaphore_mem>>
      tpu.enqueue_dma source(%arg3 : memref<632xf32, #tpu.memory_space<hbm>>) target(%arg8 : memref<632xf32, #tpu.memory_space<vmem>>) target_semaphore(%run_scoped3A : memref<!tpu.dma_semaphore, #tpu.memory_space<semaphore_mem>>)
      tpu.wait_dma2 semaphore(%run_scoped3A : memref<!tpu.dma_semaphore, #tpu.memory_space<semaphore_mem>>) src(%arg3 : memref<632xf32, #tpu.memory_space<hbm>>) dst(%arg8 : memref<632xf32, #tpu.memory_space<vmem>>)
      tpu.yield
    }) : () -> ()
    %mul3A_57 = arith.constant 632 : i32
    %mul3A_58 = arith.muli %arg1, %mul3A_57 : i32
    "tpu.region"() ({
      %run_scoped3A = tpu.sem_alloc : memref<!tpu.dma_semaphore, #tpu.memory_space<semaphore_mem>>
      %dma_start3A_93 = tpu.memref_slice %arg9[%mul3A_58] : memref<10112xf32, #tpu.memory_space<vmem_shared>> -> memref<632xf32, #tpu.memory_space<vmem_shared>>
      %dma_start3A_94 = tpu.memref_slice %arg9[%mul3A_58] : memref<10112xf32, #tpu.memory_space<vmem_shared>> -> memref<632xf32, #tpu.memory_space<vmem_shared>>
      tpu.enqueue_dma source(%arg8 : memref<632xf32, #tpu.memory_space<vmem>>) target(%dma_start3A_94 : memref<632xf32, #tpu.memory_space<vmem_shared>>) target_semaphore(%run_scoped3A : memref<!tpu.dma_semaphore, #tpu.memory_space<semaphore_mem>>)
      %dma_wait3A_95 = tpu.memref_slice %arg9[%mul3A_58] : memref<10112xf32, #tpu.memory_space<vmem_shared>> -> memref<632xf32, #tpu.memory_space<vmem_shared>>
      %dma_wait3A_96 = tpu.memref_slice %arg9[%mul3A_58] : memref<10112xf32, #tpu.memory_space<vmem_shared>> -> memref<632xf32, #tpu.memory_space<vmem_shared>>
      tpu.wait_dma2 semaphore(%run_scoped3A : memref<!tpu.dma_semaphore, #tpu.memory_space<semaphore_mem>>) src(%arg8 : memref<632xf32, #tpu.memory_space<vmem>>) dst(%dma_wait3A_96 : memref<632xf32, #tpu.memory_space<vmem_shared>>)
      tpu.yield
    }) : () -> ()
    tpu.wait_dma2 semaphore(%arg10 : memref<!tpu.dma_semaphore, #tpu.memory_space<semaphore_mem>>) src(%arg4 : memref<128xf32, #tpu.memory_space<hbm>>) dst(%arg7 : memref<128xf32, #tpu.memory_space<vmem>>)
    %dma_wait3A = arith.constant 0 : i32
    %dma_wait3A_59 = arith.constant 0 : i32
    %dma_wait3A_60 = tpu.memref_slice %arg2[%mul3A_20, %dma_wait3A, %dma_wait3A_59] : memref<2500x2x128xi32, #tpu.memory_space<hbm>> -> memref<80x2x128xi32, #tpu.memory_space<hbm>>
    %dma_wait3A_61 = arith.constant 0 : i32
    %dma_wait3A_62 = arith.constant 0 : i32
    %dma_wait3A_63 = tpu.memref_slice %arg2[%mul3A_20, %dma_wait3A_61, %dma_wait3A_62] : memref<2500x2x128xi32, #tpu.memory_space<hbm>> -> memref<80x2x128xi32, #tpu.memory_space<hbm>>
    tpu.wait_dma2 semaphore(%arg10 : memref<!tpu.dma_semaphore, #tpu.memory_space<semaphore_mem>>) src(%dma_wait3A_63 : memref<80x2x128xi32, #tpu.memory_space<hbm>>) dst(%arg6 : memref<80x2x128xi32, #tpu.memory_space<vmem>>)
    %barrier3A = arith.constant 0 : index
    tpu.barrier barrier_id(%barrier3A)
    %while3A = arith.constant 0 : i32
    %while3A_64 = arith.constant 0 : i32
    %while3A_65 = arith.subi %sub3A_51, %while3A_64 : i32
    %while3A_66 = arith.addi %while3A_64, %while3A_65 : i32
    %while3A_67 = arith.constant 1 : i32
    %while3A_68 = arith.divsi %while3A_65, %while3A_67 : i32
    %while3A_69 = arith.muli %while3A_68, %while3A_67 : i32
    %while3A_70 = arith.addi %while3A_64, %while3A_69 : i32
    %while3A_71 = arith.constant 1 : i32
    scf.for %while3A_93 = %while3A_64 to %while3A_70 step %while3A_71  : i32 {
      %dma_start3A_94 = arith.constant 1 : i32
      %dma_start3A_95 = arith.constant 0 : i32
      %dma_start3A_96 = tpu.memref_slice %arg6[%while3A_93, %dma_start3A_94, %dma_start3A_95] : memref<80x2x128xi32, #tpu.memory_space<vmem>> -> memref<1x1x128xi32, #tpu.memory_space<vmem>>
      %dma_start3A_97 = tpu.memref_squeeze %dma_start3A_96 : memref<1x1x128xi32, #tpu.memory_space<vmem>> -> memref<128xi32, #tpu.memory_space<vmem>>
      %dma_start3A_98 = arith.constant 0 : i32
      %dma_start3A_99 = tpu.memref_slice %arg9[%dma_start3A_98] : memref<10112xf32, #tpu.memory_space<vmem_shared>> -> memref<10112xf32, #tpu.memory_space<vmem_shared>>
      tpu.enqueue_indirect_dma source(%arg7 : memref<128xf32, #tpu.memory_space<vmem>>) target(%dma_start3A_99 : memref<10112xf32, #tpu.memory_space<vmem_shared>>) offsets(%dma_start3A_97 : memref<128xi32, #tpu.memory_space<vmem>>) semaphore(%arg10 : memref<!tpu.dma_semaphore, #tpu.memory_space<semaphore_mem>>) {add = true}
    }
    %while3A_72 = arith.constant 1 : i32
    scf.for %while3A_93 = %while3A_70 to %while3A_66 step %while3A_72  : i32 {
      %dma_start3A_94 = arith.constant 1 : i32
      %dma_start3A_95 = arith.constant 0 : i32
      %dma_start3A_96 = tpu.memref_slice %arg6[%while3A_93, %dma_start3A_94, %dma_start3A_95] : memref<80x2x128xi32, #tpu.memory_space<vmem>> -> memref<1x1x128xi32, #tpu.memory_space<vmem>>
      %dma_start3A_97 = tpu.memref_squeeze %dma_start3A_96 : memref<1x1x128xi32, #tpu.memory_space<vmem>> -> memref<128xi32, #tpu.memory_space<vmem>>
      %dma_start3A_98 = arith.constant 0 : i32
      %dma_start3A_99 = tpu.memref_slice %arg9[%dma_start3A_98] : memref<10112xf32, #tpu.memory_space<vmem_shared>> -> memref<10112xf32, #tpu.memory_space<vmem_shared>>
      tpu.enqueue_indirect_dma source(%arg7 : memref<128xf32, #tpu.memory_space<vmem>>) target(%dma_start3A_99 : memref<10112xf32, #tpu.memory_space<vmem_shared>>) offsets(%dma_start3A_97 : memref<128xi32, #tpu.memory_space<vmem>>) semaphore(%arg10 : memref<!tpu.dma_semaphore, #tpu.memory_space<semaphore_mem>>) {add = true}
    }
    %while3A_73 = arith.constant 0 : i32
    %while3A_74 = arith.constant 0 : i32
    %while3A_75 = arith.subi %sub3A_51, %while3A_74 : i32
    %while3A_76 = arith.addi %while3A_74, %while3A_75 : i32
    %while3A_77 = arith.constant 1 : i32
    %while3A_78 = arith.divsi %while3A_75, %while3A_77 : i32
    %while3A_79 = arith.muli %while3A_78, %while3A_77 : i32
    %while3A_80 = arith.addi %while3A_74, %while3A_79 : i32
    %while3A_81 = arith.constant 1 : i32
    scf.for %while3A_93 = %while3A_74 to %while3A_80 step %while3A_81  : i32 {
      %dma_wait3A_94 = arith.constant 0 : i32
      %dma_wait3A_95 = arith.constant 1 : i32
      %dma_wait3A_96 = arith.constant 0 : i32
      %dma_wait3A_97 = tpu.memref_slice %arg6[%dma_wait3A_94, %dma_wait3A_95, %dma_wait3A_96] : memref<80x2x128xi32, #tpu.memory_space<vmem>> -> memref<1x1x128xi32, #tpu.memory_space<vmem>>
      %dma_wait3A_98 = tpu.memref_squeeze %dma_wait3A_97 : memref<1x1x128xi32, #tpu.memory_space<vmem>> -> memref<128xi32, #tpu.memory_space<vmem>>
      %dma_wait3A_99 = arith.constant 0 : i32
      %dma_wait3A_100 = tpu.memref_slice %arg9[%dma_wait3A_99] : memref<10112xf32, #tpu.memory_space<vmem_shared>> -> memref<10112xf32, #tpu.memory_space<vmem_shared>>
      tpu.wait_indirect_dma semaphore(%arg10 : memref<!tpu.dma_semaphore, #tpu.memory_space<semaphore_mem>>) src(%arg7 : memref<128xf32, #tpu.memory_space<vmem>>) dst(%dma_wait3A_100 : memref<10112xf32, #tpu.memory_space<vmem_shared>>)
    }
    %while3A_82 = arith.constant 1 : i32
    scf.for %while3A_93 = %while3A_80 to %while3A_76 step %while3A_82  : i32 {
      %dma_wait3A_94 = arith.constant 0 : i32
      %dma_wait3A_95 = arith.constant 1 : i32
      %dma_wait3A_96 = arith.constant 0 : i32
      %dma_wait3A_97 = tpu.memref_slice %arg6[%dma_wait3A_94, %dma_wait3A_95, %dma_wait3A_96] : memref<80x2x128xi32, #tpu.memory_space<vmem>> -> memref<1x1x128xi32, #tpu.memory_space<vmem>>
      %dma_wait3A_98 = tpu.memref_squeeze %dma_wait3A_97 : memref<1x1x128xi32, #tpu.memory_space<vmem>> -> memref<128xi32, #tpu.memory_space<vmem>>
      %dma_wait3A_99 = arith.constant 0 : i32
      %dma_wait3A_100 = tpu.memref_slice %arg9[%dma_wait3A_99] : memref<10112xf32, #tpu.memory_space<vmem_shared>> -> memref<10112xf32, #tpu.memory_space<vmem_shared>>
      tpu.wait_indirect_dma semaphore(%arg10 : memref<!tpu.dma_semaphore, #tpu.memory_space<semaphore_mem>>) src(%arg7 : memref<128xf32, #tpu.memory_space<vmem>>) dst(%dma_wait3A_100 : memref<10112xf32, #tpu.memory_space<vmem_shared>>)
    }
    %lt3A = arith.constant 4 : i32
    %lt3A_83 = arith.cmpi slt, %add3A, %lt3A : i32
    %convert_element_type3A = arith.extui %lt3A_83 : i1 to i32
    %cond3A = arith.constant 0 : i32
    %cond3A_84 = arith.cmpi ne, %convert_element_type3A, %cond3A : i32
    scf.if %cond3A_84 {
      %add3A_93 = arith.constant 2496 : i32
      %add3A_94 = arith.addi %add3A_93, %add3A : i32
      %run_scoped3A = arith.constant 0 : i32
      "tpu.region"() ({
        %run_scoped3A_109 = tpu.sem_alloc : memref<!tpu.dma_semaphore, #tpu.memory_space<semaphore_mem>>
        %dma_start3A_110 = arith.constant 0 : i32
        %dma_start3A_111 = arith.constant 0 : i32
        %dma_start3A_112 = tpu.memref_slice %arg6[%run_scoped3A, %dma_start3A_110, %dma_start3A_111] : memref<80x2x128xi32, #tpu.memory_space<vmem>> -> memref<1x2x128xi32, #tpu.memory_space<vmem>>
        %dma_start3A_113 = tpu.memref_squeeze %dma_start3A_112 : memref<1x2x128xi32, #tpu.memory_space<vmem>> -> memref<2x128xi32, #tpu.memory_space<vmem>>
        %dma_start3A_114 = arith.constant 0 : i32
        %dma_start3A_115 = arith.constant 0 : i32
        %dma_start3A_116 = tpu.memref_slice %arg2[%add3A_94, %dma_start3A_114, %dma_start3A_115] : memref<2500x2x128xi32, #tpu.memory_space<hbm>> -> memref<1x2x128xi32, #tpu.memory_space<hbm>>
        %dma_start3A_117 = tpu.memref_squeeze %dma_start3A_116 : memref<1x2x128xi32, #tpu.memory_space<hbm>> -> memref<2x128xi32, #tpu.memory_space<hbm>>
        %dma_start3A_118 = arith.constant 0 : i32
        %dma_start3A_119 = arith.constant 0 : i32
        %dma_start3A_120 = tpu.memref_slice %arg6[%run_scoped3A, %dma_start3A_118, %dma_start3A_119] : memref<80x2x128xi32, #tpu.memory_space<vmem>> -> memref<1x2x128xi32, #tpu.memory_space<vmem>>
        %dma_start3A_121 = tpu.memref_squeeze %dma_start3A_120 : memref<1x2x128xi32, #tpu.memory_space<vmem>> -> memref<2x128xi32, #tpu.memory_space<vmem>>
        %dma_start3A_122 = arith.constant 0 : i32
        %dma_start3A_123 = arith.constant 0 : i32
        %dma_start3A_124 = tpu.memref_slice %arg2[%add3A_94, %dma_start3A_122, %dma_start3A_123] : memref<2500x2x128xi32, #tpu.memory_space<hbm>> -> memref<1x2x128xi32, #tpu.memory_space<hbm>>
        %dma_start3A_125 = tpu.memref_squeeze %dma_start3A_124 : memref<1x2x128xi32, #tpu.memory_space<hbm>> -> memref<2x128xi32, #tpu.memory_space<hbm>>
        tpu.enqueue_dma source(%dma_start3A_125 : memref<2x128xi32, #tpu.memory_space<hbm>>) target(%dma_start3A_121 : memref<2x128xi32, #tpu.memory_space<vmem>>) target_semaphore(%run_scoped3A_109 : memref<!tpu.dma_semaphore, #tpu.memory_space<semaphore_mem>>)
        %dma_wait3A_126 = arith.constant 0 : i32
        %dma_wait3A_127 = arith.constant 0 : i32
        %dma_wait3A_128 = tpu.memref_slice %arg6[%run_scoped3A, %dma_wait3A_126, %dma_wait3A_127] : memref<80x2x128xi32, #tpu.memory_space<vmem>> -> memref<1x2x128xi32, #tpu.memory_space<vmem>>
        %dma_wait3A_129 = tpu.memref_squeeze %dma_wait3A_128 : memref<1x2x128xi32, #tpu.memory_space<vmem>> -> memref<2x128xi32, #tpu.memory_space<vmem>>
        %dma_wait3A_130 = arith.constant 0 : i32
        %dma_wait3A_131 = arith.constant 0 : i32
        %dma_wait3A_132 = tpu.memref_slice %arg2[%add3A_94, %dma_wait3A_130, %dma_wait3A_131] : memref<2500x2x128xi32, #tpu.memory_space<hbm>> -> memref<1x2x128xi32, #tpu.memory_space<hbm>>
        %dma_wait3A_133 = tpu.memref_squeeze %dma_wait3A_132 : memref<1x2x128xi32, #tpu.memory_space<hbm>> -> memref<2x128xi32, #tpu.memory_space<hbm>>
        %dma_wait3A_134 = arith.constant 0 : i32
        %dma_wait3A_135 = arith.constant 0 : i32
        %dma_wait3A_136 = tpu.memref_slice %arg6[%run_scoped3A, %dma_wait3A_134, %dma_wait3A_135] : memref<80x2x128xi32, #tpu.memory_space<vmem>> -> memref<1x2x128xi32, #tpu.memory_space<vmem>>
        %dma_wait3A_137 = tpu.memref_squeeze %dma_wait3A_136 : memref<1x2x128xi32, #tpu.memory_space<vmem>> -> memref<2x128xi32, #tpu.memory_space<vmem>>
        %dma_wait3A_138 = arith.constant 0 : i32
        %dma_wait3A_139 = arith.constant 0 : i32
        %dma_wait3A_140 = tpu.memref_slice %arg2[%add3A_94, %dma_wait3A_138, %dma_wait3A_139] : memref<2500x2x128xi32, #tpu.memory_space<hbm>> -> memref<1x2x128xi32, #tpu.memory_space<hbm>>
        %dma_wait3A_141 = tpu.memref_squeeze %dma_wait3A_140 : memref<1x2x128xi32, #tpu.memory_space<hbm>> -> memref<2x128xi32, #tpu.memory_space<hbm>>
        tpu.wait_dma2 semaphore(%run_scoped3A_109 : memref<!tpu.dma_semaphore, #tpu.memory_space<semaphore_mem>>) src(%dma_wait3A_141 : memref<2x128xi32, #tpu.memory_space<hbm>>) dst(%dma_wait3A_137 : memref<2x128xi32, #tpu.memory_space<vmem>>)
        tpu.yield
      }) : () -> ()
      %dma_start3A_95 = arith.constant 0 : i32
      %dma_start3A_96 = arith.constant 1 : i32
      %dma_start3A_97 = arith.constant 0 : i32
      %dma_start3A_98 = tpu.memref_slice %arg6[%dma_start3A_95, %dma_start3A_96, %dma_start3A_97] : memref<80x2x128xi32, #tpu.memory_space<vmem>> -> memref<1x1x128xi32, #tpu.memory_space<vmem>>
      %dma_start3A_99 = tpu.memref_squeeze %dma_start3A_98 : memref<1x1x128xi32, #tpu.memory_space<vmem>> -> memref<128xi32, #tpu.memory_space<vmem>>
      %dma_start3A_100 = arith.constant 0 : i32
      %dma_start3A_101 = tpu.memref_slice %arg9[%dma_start3A_100] : memref<10112xf32, #tpu.memory_space<vmem_shared>> -> memref<10112xf32, #tpu.memory_space<vmem_shared>>
      tpu.enqueue_indirect_dma source(%arg7 : memref<128xf32, #tpu.memory_space<vmem>>) target(%dma_start3A_101 : memref<10112xf32, #tpu.memory_space<vmem_shared>>) offsets(%dma_start3A_99 : memref<128xi32, #tpu.memory_space<vmem>>) semaphore(%arg10 : memref<!tpu.dma_semaphore, #tpu.memory_space<semaphore_mem>>) {add = true}
      %dma_wait3A_102 = arith.constant 0 : i32
      %dma_wait3A_103 = arith.constant 1 : i32
      %dma_wait3A_104 = arith.constant 0 : i32
      %dma_wait3A_105 = tpu.memref_slice %arg6[%dma_wait3A_102, %dma_wait3A_103, %dma_wait3A_104] : memref<80x2x128xi32, #tpu.memory_space<vmem>> -> memref<1x1x128xi32, #tpu.memory_space<vmem>>
      %dma_wait3A_106 = tpu.memref_squeeze %dma_wait3A_105 : memref<1x1x128xi32, #tpu.memory_space<vmem>> -> memref<128xi32, #tpu.memory_space<vmem>>
      %dma_wait3A_107 = arith.constant 0 : i32
      %dma_wait3A_108 = tpu.memref_slice %arg9[%dma_wait3A_107] : memref<10112xf32, #tpu.memory_space<vmem_shared>> -> memref<10112xf32, #tpu.memory_space<vmem_shared>>
      tpu.wait_indirect_dma semaphore(%arg10 : memref<!tpu.dma_semaphore, #tpu.memory_space<semaphore_mem>>) src(%arg7 : memref<128xf32, #tpu.memory_space<vmem>>) dst(%dma_wait3A_108 : memref<10112xf32, #tpu.memory_space<vmem_shared>>)
    } else {
    }
    %barrier3A_85 = arith.constant 0 : index
    tpu.barrier barrier_id(%barrier3A_85)
    %mul3A_86 = arith.constant 632 : i32
    %mul3A_87 = arith.muli %arg1, %mul3A_86 : i32
    "tpu.region"() ({
      %run_scoped3A = tpu.sem_alloc : memref<!tpu.dma_semaphore, #tpu.memory_space<semaphore_mem>>
      %dma_start3A_93 = tpu.memref_slice %arg9[%mul3A_87] : memref<10112xf32, #tpu.memory_space<vmem_shared>> -> memref<632xf32, #tpu.memory_space<vmem_shared>>
      %dma_start3A_94 = tpu.memref_slice %arg9[%mul3A_87] : memref<10112xf32, #tpu.memory_space<vmem_shared>> -> memref<632xf32, #tpu.memory_space<vmem_shared>>
      tpu.enqueue_dma source(%dma_start3A_94 : memref<632xf32, #tpu.memory_space<vmem_shared>>) target(%arg8 : memref<632xf32, #tpu.memory_space<vmem>>) target_semaphore(%run_scoped3A : memref<!tpu.dma_semaphore, #tpu.memory_space<semaphore_mem>>)
      %dma_wait3A_95 = tpu.memref_slice %arg9[%mul3A_87] : memref<10112xf32, #tpu.memory_space<vmem_shared>> -> memref<632xf32, #tpu.memory_space<vmem_shared>>
      %dma_wait3A_96 = tpu.memref_slice %arg9[%mul3A_87] : memref<10112xf32, #tpu.memory_space<vmem_shared>> -> memref<632xf32, #tpu.memory_space<vmem_shared>>
      tpu.wait_dma2 semaphore(%run_scoped3A : memref<!tpu.dma_semaphore, #tpu.memory_space<semaphore_mem>>) src(%dma_wait3A_96 : memref<632xf32, #tpu.memory_space<vmem_shared>>) dst(%arg8 : memref<632xf32, #tpu.memory_space<vmem>>)
      tpu.yield
    }) : () -> ()
    %mul3A_88 = arith.constant 10112 : i32
    %mul3A_89 = arith.muli %arg0, %mul3A_88 : i32
    %mul3A_90 = arith.constant 632 : i32
    %mul3A_91 = arith.muli %arg1, %mul3A_90 : i32
    %add3A_92 = arith.addi %mul3A_89, %mul3A_91 : i32
    "tpu.region"() ({
      %run_scoped3A = tpu.sem_alloc : memref<!tpu.dma_semaphore, #tpu.memory_space<semaphore_mem>>
      %dma_start3A_93 = tpu.memref_slice %arg5[%add3A_92] : memref<20224xf32, #tpu.memory_space<hbm>> -> memref<632xf32, #tpu.memory_space<hbm>>
      %dma_start3A_94 = tpu.memref_slice %arg5[%add3A_92] : memref<20224xf32, #tpu.memory_space<hbm>> -> memref<632xf32, #tpu.memory_space<hbm>>
      tpu.enqueue_dma source(%arg8 : memref<632xf32, #tpu.memory_space<vmem>>) target(%dma_start3A_94 : memref<632xf32, #tpu.memory_space<hbm>>) target_semaphore(%run_scoped3A : memref<!tpu.dma_semaphore, #tpu.memory_space<semaphore_mem>>)
      %dma_wait3A_95 = tpu.memref_slice %arg5[%add3A_92] : memref<20224xf32, #tpu.memory_space<hbm>> -> memref<632xf32, #tpu.memory_space<hbm>>
      %dma_wait3A_96 = tpu.memref_slice %arg5[%add3A_92] : memref<20224xf32, #tpu.memory_space<hbm>> -> memref<632xf32, #tpu.memory_space<hbm>>
      tpu.wait_dma2 semaphore(%run_scoped3A : memref<!tpu.dma_semaphore, #tpu.memory_space<semaphore_mem>>) src(%arg8 : memref<632xf32, #tpu.memory_space<vmem>>) dst(%dma_wait3A_96 : memref<632xf32, #tpu.memory_space<hbm>>)
      tpu.yield
    }) : () -> ()
    return
  }
}

</mosaic_0001>

<sc_bundles>
// kernel: _deg_call.3.cloned.1.call-start
scs
__scs_entry_jumppad:
0x0: {  	(pc) =	sbr.rel $0x88, $3  }
0x1: {  	(tag) =	ssettag $0x0;
	lr =	simm.s32 $0x1  }
0x2: {  	[smem:$0x3FA0] =	sst lr;
	_ =	strace $0xD0000000  }
0x3: {  	_ = 	snop  }
0x4: {  	_ = 	snop  }
0x5: {  	_ = 	snop  }
0x6: {  	_ = 	snop  }
0x7: {  	_ = 	snop  }
__scs_overlays_trampoline_lowered:
0x8: {  	[smem:$0x3FAF] =	sst s0  }
0x9: {  	[smem:$0x3FB0] =	sst s1  }
0xa: {  	[smem:$0x3FB1] =	sst s2  }
0xb: {  	[smem:$0x3FB2] =	sst s3  }
0xc: {  	[smem:$0x3FB3] =	sst s4  }
0xd: {  	[smem:$0x3FB4] =	sst s5  }
0xe: {  	[smem:$0x3FB5] =	sst s6  }
0xf: {  	[smem:$0x3FB6] =	sst s7  }
0x10: {  	[smem:$0x3FB7] =	sst s8  }
0x11: {  	[smem:$0x3FB8] =	sst s9;
	s0 =	simm.s32 @!p0 $0x0  }
0x12: {  	s1 =	sld [smem:$0x3F9E];
	s0 =	simm.s32 @p0 $0x1  }
0x13: {  	[smem:$0x3FB9] =	sst s0;
	s0 =	simm.s32 @!p1 $0x0  }
0x14: {  	s2 =	sld [smem:$0x3F9D];
	s0 =	simm.s32 @p1 $0x1  }
0x15: {  	[smem:$0x3FBA] =	sst s0;
	s0 =	simm.s32 @!p2 $0x0  }
0x16: {  	s3 =	sld [smem:$0x3FDB];
	s0 =	simm.s32 @p2 $0x1  }
0x17: {  	s4 =	simm.s32 $0x1BF5;
	[smem:$0x3FBC] =	sst s0  }
0x18: {  	s0 =	sld [smem:$0x3F9F];
	_ =	swait.ge [sflag:s4], $0x0  }
0x19: {  	s7 =	sld [smem:$0x3FA0]  }
0x1a: {  	s8 =	sadd.s32 $0xFFFFE003, lr  }
0x1b: {  	s9 =	sadd.s32 $0xFFFFFEF7, lr;
	s5 =	simm.s32 $0xFFFFFFFF;
	p2 =	slt.u32 s8, $0xFFFFF086  }
0x1c: {  	p1 =	slt.u32 s9, $0xF7A;
	s5 =	simm.s32 @!p2 $0x0  }
0x1d: {  	s5 =	simm.s32 @p1 $0x1;
	p0 =	seq.s32 s7, s2  }
0x1e: {  	s7 =	smul.u32 @!p0 $0xF7A, s2;
	p2 =	seq.s32 @!p0 s5, $0x0  }
0x1f: {  	s9 =	smul.u32 $0xF7A, s1;
	s8 =	simm.s32 @!p0 $0x1BF5;
	p2 =	por !p2, p0  }
0x20: {  	[sflag:s8] =	ssyncset.s32 @!p0 $0xFFFFF086;
	s6 =	sadd.s32 @!p0 s3, s7;
	s7 =	simm.s32 @!p0 $0x108  }
0x21: {  	s3 =	sadd.s32 s3, s9;
	s6 =	sadd.s32 @!p0 $0x88, s6;
	s7 =	simm.s32 @p2 $0x1082  }
0x22: {  	[simem:s7], [sflag:s8] =	dma.local @!p0 [hbm:s6], $0xF7A  }
0x23: {  	s9 =	sor.u32 $0xD0000000, s2;
	s6 =	simm.s32 $0x108;
	_ =	swait.ge @!p0 [sflag:s8], $0x0  }
0x24: {  	s3 =	sadd.s32 $0x88, s3;
	s6 =	simm.s32 @!p1 $0x1082;
	[sflag:s4] =	ssyncset.s32 $0xFFFFF086  }
0x25: {  	[simem:s6], [sflag:s4] =	dma.local [hbm:s3], $0xF7A  }
0x26: {  	[smem:$0x3FA0] =	sst s1;
	(tag) =	ssettag s2;
	_ =	strace s9  }
0x27: {  	s1 =	sld [smem:$0x3FB0]  }
0x28: {  	s2 =	sld [smem:$0x3FB1]  }
0x29: {  	s4 =	sld [smem:$0x3FB3]  }
0x2a: {  	p0 =	seq.s32 s5, $0x0;
	s5 =	sld [smem:$0x3FB4]  }
0x2b: {  	s6 =	sld [smem:$0x3FB5]  }
0x2c: {  	s7 =	sld [smem:$0x3FB6]  }
0x2d: {  	s3 =	simm.s32 $0x108;
	s8 =	sld [smem:$0x3FB7]  }
0x2e: {  	s3 =	simm.s32 @!p0 $0x1082;
	s9 =	sld [smem:$0x3FB8]  }
0x2f: {  	lr =	sadd.s32 s0, s3;
	s0 =	sld [smem:$0x3FAF]  }
0x30: {  	s3 =	sld [smem:$0x3FB2]  }
0x31: {  	[smem:$0x3FBB] =	sst s10  }
0x32: {  	s10 =	sld [smem:$0x3FB9];
	_ =	sdelay $0x3  }
0x33: {  	p0 =	seq.s32 s10, $0x1;
	s10 =	sld [smem:$0x3FBB];
	_ =	sdelay $0x3  }
0x34: {  	[smem:$0x3FBB] =	sst s10  }
0x35: {  	s10 =	sld [smem:$0x3FBA];
	_ =	sdelay $0x3  }
0x36: {  	p1 =	seq.s32 s10, $0x1;
	s10 =	sld [smem:$0x3FBB];
	_ =	sdelay $0x3  }
0x37: {  	[smem:$0x3FBB] =	sst s10  }
0x38: {  	s10 =	sld [smem:$0x3FBC]  }
0x39: {  	_ = 	snop;
	(pc) =	sbr.ind lr, $3  }
0x3a: {  	_ = 	snop  }
0x3b: {  	_ = 	snop  }
0x3c: {  	p2 =	seq.s32 s10, $0x1;
	s10 =	sld [smem:$0x3FBB]  }
0x3d: {  	_ =	shalt  }
0x3e: {  	_ =	shalt  }
0x3f: {  	_ =	shalt  }
0x40: {  	_ =	shalt  }
0x41: {  	_ =	shalt  }
0x42: {  	_ =	shalt  }
0x43: {  	_ =	shalt  }
0x44: {  	_ =	shalt  }
0x45: {  	_ =	shalt  }
0x46: {  	_ =	shalt  }
0x47: {  	_ =	shalt  }
0x48: {  	_ =	shalt  }
0x49: {  	_ =	shalt  }
0x4a: {  	_ =	shalt  }
0x4b: {  	_ =	shalt  }
0x4c: {  	_ =	shalt  }
0x4d: {  	_ =	shalt  }
0x4e: {  	_ =	shalt  }
0x4f: {  	_ =	shalt  }
0x50: {  	_ =	shalt  }
0x51: {  	_ =	shalt  }
0x52: {  	_ =	shalt  }
0x53: {  	_ =	shalt  }
0x54: {  	_ =	shalt  }
0x55: {  	_ =	shalt  }
0x56: {  	_ =	shalt  }
0x57: {  	_ =	shalt  }
0x58: {  	_ =	shalt  }
0x59: {  	_ =	shalt  }
0x5a: {  	_ =	shalt  }
0x5b: {  	_ =	shalt  }
0x5c: {  	_ =	shalt  }
0x5d: {  	_ =	shalt  }
0x5e: {  	_ =	shalt  }
0x5f: {  	_ =	shalt  }
0x60: {  	_ =	shalt  }
0x61: {  	_ =	shalt  }
0x62: {  	_ =	shalt  }
0x63: {  	_ =	shalt  }
0x64: {  	_ =	shalt  }
0x65: {  	_ =	shalt  }
0x66: {  	_ =	shalt  }
0x67: {  	_ =	shalt  }
0x68: {  	_ =	shalt  }
0x69: {  	_ =	shalt  }
0x6a: {  	_ =	shalt  }
0x6b: {  	_ =	shalt  }
0x6c: {  	_ =	shalt  }
0x6d: {  	_ =	shalt  }
0x6e: {  	_ =	shalt  }
0x6f: {  	_ =	shalt  }
0x70: {  	_ =	shalt  }
0x71: {  	_ =	shalt  }
0x72: {  	_ =	shalt  }
0x73: {  	_ =	shalt  }
0x74: {  	_ =	shalt  }
0x75: {  	_ =	shalt  }
0x76: {  	_ =	shalt  }
0x77: {  	_ =	shalt  }
0x78: {  	_ =	shalt  }
0x79: {  	_ =	shalt  }
0x7a: {  	_ =	shalt  }
0x7b: {  	_ =	shalt  }
0x7c: {  	_ =	shalt  }
0x7d: {  	_ =	shalt  }
0x7e: {  	_ =	shalt  }
0x7f: {  	_ =	shalt  }
0x80: {  	_ =	shalt  }
0x81: {  	_ =	shalt  }
0x82: {  	_ =	shalt  }
0x83: {  	_ =	shalt  }
0x84: {  	_ =	shalt  }
0x85: {  	_ =	shalt  }
0x86: {  	_ =	shalt  }
0x87: {  	_ =	shalt  }
.Lfunc_end0:
.L_simem_size_0:
called_computation_lowered:
.L_overlay_start_0:
0x88: {  	s2 =	sld [smem:$0x3FD9]  }
0x89: {  	s3 =	sld [smem:$0x3FFE];
	_ =	sdelay $0x1  }
0x8a: {  	s1 =	srdreg.scid  }
0x8b: {  	s0 =	sand.u32 $0x1, s1  }
0x8c: {  	s17 =	sshll.u32 s0, $0xA;
	s2 =	sadd.s32 s3, s2  }
0x8d: {  	s2 =	sadd.s32 s2, s17  }
0x8e: {  	[smem:$0x3FC7] =	sst s2  }
0x8f: {  	_ = 	snop  }
0x90: {  	s2 =	sld [smem:$0x3FC9]  }
0x91: {  	s18 =	sld [smem:$0x3FD0];
	(tm) =	ssettm $0x1  }
0x92: {  	s4 =	sld [smem:$0x3FFB];
	_ =	sdelay $0x3  }
0x93: {  	_ =	strace s4  }
0x94: {  	s4 =	sld [smem:$0x3FFC];
	_ =	sdelay $0x3  }
0x95: {  	_ =	strace s4  }
0x96: {  	s4 =	sld [smem:$0x3FFD];
	_ =	sdelay $0x3  }
0x97: {  	_ =	strace s4  }
0x98: {  	_ =	strace $0x8FFFFFFF  }
0x99: {  	s19 =	sld [smem:$0x3FDB];
	_ =	sdelay $0x1  }
0x9a: {  	s5 =	simm.s32 $_scs_section_size  }
0x9b: {  	s6 =	simm.s32 $_size__tile_overlayer_lowered;
	s7 =	simm.s32 $_tile_overlayer_lowered  }
0x9c: {  	s22 =	simm.s32 $0x1BFF;
	s21 =	sshll.u32 s7, $0x1;
	s4 =	sadd.s32 s5, s19  }
0x9d: {  	s8 =	simm.s32 $0x0;
	s20 =	sshll.u32 s6, $0x1;
	s6 =	sadd.s32 s21, s4  }
0x9e: {  	[timem:s8], [sflag:s22] =	dma.local [hbm:s6], s20  }
0x9f: {  	_ =	swait.ge [sflag:s22], s20  }
0xa0: {  	s5 =	ssub.s32 $0x0, s20;
	[sflag:s22] =	ssyncset.done $0x0  }
0xa1: {  	[sflag:s22] =	ssyncadd.s32 s5;
	_ =	sdelay $0x1  }
0xa2: {  	s23 =	simm.s32 $0x1B8B  }
0xa3: {  	_ =	swait.ge [sflag:s23], $0x1  }
0xa4: {  	[sflag:s23] =	ssyncset.done $0x0  }
0xa5: {  	s25 =	simm.s32 $0x1B8E;
	s24 =	sld [smem:$0x3FFE];
	[sflag:s23] =	ssyncadd.s32 $0xFFFFFFFF  }
0xa6: {  	s26 =	simm.s32 $execute0_lowered;
	[smem:$0x3FD2] =	sst s25  }
0xa7: {  	s6 =	sshll.u32 s26, $0x1;
	_ =	strace $0x80000046;
	[dreg:$0x1] =	wrdreg $0xFFFFFFFF  }
0xa8: {  	s28 =	simm.s32 $_size_execute0_lowered;
	s4 =	sadd.s32 s4, s6;
	[dreg:$0x0] =	wrdreg $0x0  }
0xa9: {  	s6 =	sshll.u32 s28, $0x1;
	[dreg:$0x2] =	wrdreg s4  }
0xaa: {  	[dreg:$0x3] =	wrdreg s6  }
0xab: {  	[dreg:$0x4] =	wrdreg $0xC0  }
0xac: {  	_ =	task [dreg:s8], $0x5FFFF  }
0xad: {  	[dreg:$0x1] =	wrdreg $0xFFFFFFFF  }
0xae: {  	[dreg:$0x0] =	wrdreg $0x60  }
0xaf: {  	[dreg:$0x2] =	wrdreg s2  }
0xb0: {  	[dreg:$0x3] =	wrdreg s24  }
0xb1: {  	[dreg:$0x4] =	wrdreg s18  }
0xb2: {  	[dreg:$0x5] =	wrdreg $0x53000  }
0xb3: {  	[dreg:$0x6] =	wrdreg $0x9  }
0xb4: {  	_ =	task.clear_ibuf [dreg:s8], $0x7FFFF;
	_ =	strace $0x90000046  }
0xb5: {  	s29 =	simm.s32 $0x9;
	_ =	strace $0x80000048  }
0xb6: {  	_ =	swait.ge [sflag:s29], $0x1  }
0xb7: {  	[sflag:s29] =	ssyncadd.s32 $0xFFFFFFFF  }
0xb8: {  	_ =	strace $0x90000048  }
0xb9: {  	_ =	sfence  }
0xba: {  	s30 =	sld [smem:$0x0];
	_ =	sdelay $0x2  }
0xbb: {  	s31 =	sshll.u32 s1, $0xD;
	s1 =	sshrl.u32 s1, $0x2  }
0xbc: {  	s3 =	sand.u32 $0x4000, s31;
	s1 =	sadd.s32 s1, s30  }
0xbd: {  	s0 =	sor.u32 s3, s0;
	s1 =	sshll.u32 s1, $0x11  }
0xbe: {  	s0 =	sor.u32 s1, s0  }
0xbf: {  	s0 =	sadd.s32 $0x8F2B, s0  }
0xc0: {  	[sflag:s0] =	ssyncadd.remote.s32 $0x1  }
0xc1: {  	_ =	sfence.sel $0xFFFF  }
0xc2: {  	[dreg:$0x0] =	wrdreg $0xFFFFFFFF;
	(pc) =	sbr.abs _section_cstart, $3  }
0xc3: {  	[dreg:$0x1] =	wrdreg $0xFFFFFFFF  }
0xc4: {  	_ =	task.clear_ibuf [dreg:s8], $0x2FFFF;
	_ =	strace $0x9FFFFFFF  }
0xc5: {  	(tm) =	ssettm $0x7FFFFFFF  }
tec
execute0_lowered:
.L_overlay_start_1:
0x0: {  	(tag) =	ssettag $0x1  }
0x1: {  	s7 =	rddreg [dreg:$0x0]  }
0x2: {  	s5 =	rddreg [dreg:$0x1]  }
0x3: {  	s9 =	rddreg [dreg:$0x2]  }
0x4: {  	s1 =	rddreg [dreg:$0x3];
	s2 =	srdreg.scid  }
0x5: {  	s0 =	rddreg [dreg:$0x4];
	s8 =	sand.u32 $0x1, s2  }
0x6: {  	s3 =	simm.s32 $0x0;
	s2 =	stileid.u32;
	s11 =	smul.u32 $0x9C00, s8  }
0x7: {  	[smem:$0x7FF] =	sst s3;
	s13 =	smul.u32 $0x9C0, s2  }
0x8: {  	s4 =	sshll.u32 s8, $0x4;
	_ =	strace $0x80000047;
	s31 =	smul.u32 $0x278, s2  }
0x9: {  	s10 =	ssub.s32 $0x2, s8;
	s15 =	sshll.u32 s2, $0x5;
	s8 =	smul.u32 $0x2780, s8  }
0xa: {  	s17 =	sor.u32 s2, s4;
	s4 =	sadd.s32 $0x600, s5;
	s5 =	sadd.s32 $0x400, s5  }
0xb: {  	s12 =	sshrl.u32 s10, $0x1;
	s15 =	sadd.s32 s15, s7;
	s6 =	smul.u32 $0x9C0, s17  }
0xc: {  	s10 =	ssub.s32 s10, s12;
	s11 =	sadd.s32 s13, s11;
	s13 =	sadd.s32 s31, s8  }
0xd: {  	s8 =	sadd.s32 $0x13800, s15;
	s12 =	simm.s32 $0x5000;
	s15 =	simm.s32 $0x1  }
0xe: {  	p1 =	sgt.u32 s17, $0x3;
	s17 =	simm.s32 $0x0;
	s11 =	sshrl.u32 s11, $0x5  }
0xf: {  	s13 =	sshrl.u32 s13, $0x3;
	s10 =	smax.u32 s10, $0x1;
	s30 =	sshrl.u32 s6, $0x8  }
0x10: {  	s14 =	sadd.s32 $0x9C0, s6;
	s6 =	sand.u32 $0x1FF00, s6;
	s16 =	sadd.s32 $0x4E, s11  }
.Ltmp0:
0x11: {  	s11 =	sand.u32 $0xFF8, s11;
	s16 =	sand.u32 $0x1FF8, s16;
	(pc) =	sbr.rel .LBB2_1-.Ltmp0, $4  }
0x12: {  	s9 =	sadd.s32 s9, s13;
	s13 =	simm.s32 $0x5080;
	s11 =	ssub.s32 s16, s11  }
0x13: {  	s14 =	sshrl.u32 s14, $0x8;
	s6 =	sadd.s32 s7, s6;
	p0 =	sgt.s32 s11, $0x1  }
0x14: {  	s7 =	sadd.s32 s31, s1;
	s16 =	simm.s32 $0x80;
	s11 =	simm.s32 @!p0 $0x1  }
0x15: {  	p0 =	sle.u32 s14, s30;
	s14 =	simm.s32 $0x2;
	s11 =	ssub.s32 $0x0, s11  }
.LBB2_6:
0x16: {  	[sflag:s15] =	ssyncadd.s32 $0xFFFFFF80  }
.LBB2_7:
0x17: {  	s18 =	simm.s32 @!p1 $0x0  }
0x18: {  	[tilespmem:s18], [sflag:$0x2] =	stream.linear.gather @!p1 [hbm4b:s8+s18], $0x100, $0x38;
	[tilespmem:$0x5578] =	vst v63  }
0x19: {  	s18 =	simm.s32 @!p1 $0x2  }
0x1a: {  	_ =	swait.ge @!p1 [sflag:s18], $0x100  }
0x1b: {  	[sflag:s18] =	ssyncset.done @!p1 $0x0  }
0x1c: {  	s19 =	simm.s32 @!p1 $0x5000;
	[sflag:s18] =	ssyncadd.s32 @!p1 $0xFFFFFF00;
	s18 =	simm.s32 @!p1 $0x80  }
0x1d: {  	[spmem:s1] =	stream.indirect.scatter.add.f32 @!p1 [tilespmem:s19], [sflag:$0x1], $0x1, s18, s18, $0xb8;
	[tilespmem:$0x5578] =	vst v63  }
0x1e: {  	s18 =	simm.s32 @!p1 $0x1  }
0x1f: {  	_ =	swait.ge @!p1 [sflag:s18], $0x80  }
0x20: {  	[sflag:s18] =	ssyncset.done @!p1 $0x0  }
0x21: {  	[sflag:s18] =	ssyncadd.s32 @!p1 $0xFFFFFF80  }
0x22: {  	[bflag:$0x0] =	sbarrier.arrive $0xFFFF  }
0x23: {  	[tilespmem:s13], [sflag:$0x2] =	stream.linear.gather [spmem:s7], $0x278, $0x38;
	[tilespmem:$0x5578] =	vst v63  }
0x24: {  	s17 =	sadd.s32 $0x1, s17;
	_ =	swait.ge [sflag:s14], $0x278  }
0x25: {  	p2 =	sne.s32 s17, s10;
	[sflag:s14] =	ssyncset.done $0x0  }
.Ltmp1:
0x26: {  	[sflag:s14] =	ssyncadd.s32 $0xFFFFFD88;
	(pc) =	sbr.rel @!p2 .LBB2_8-.Ltmp1, $4  }
0x27: {  	[hbm4b:s9+s3] =	stream.linear.scatter [tilespmem:s13], [sflag:$0x2], $0x278, $0x38;
	[tilespmem:$0x5578] =	vst v63  }
0x28: {  	_ =	swait.ge [sflag:s14], $0x278  }
0x29: {  	[sflag:s14] =	ssyncset.done $0x0  }
0x2a: {  	[sflag:s14] =	ssyncadd.s32 $0xFFFFFD88  }
.LBB2_1:
0x2b: {  	[tilespmem:s12], [sflag:$0x1] =	stream.linear.gather [hbm4b:s5+s3], $0x80, $0x38;
	[tilespmem:$0x5578] =	vst v63  }
0x2c: {  	_ = 	snop  }
0x2d: {  	[tilespmem:s3], [sflag:$0x1] =	stream.linear.gather [hbm4b:s6+s3], $0x5000, $0x38;
	[tilespmem:$0x5578] =	vst v63  }
0x2e: {  	_ = 	snop  }
0x2f: {  	[tilespmem:s13], [sflag:$0x2] =	stream.linear.gather [hbm4b:s4+s3], $0x280, $0x38;
	[tilespmem:$0x5578] =	vst v63  }
0x30: {  	_ =	swait.ge [sflag:s14], $0x280  }
0x31: {  	[sflag:s14] =	ssyncset.done $0x0  }
0x32: {  	[sflag:s14] =	ssyncadd.s32 $0xFFFFFD80  }
0x33: {  	[spmem:s7] =	stream.linear.scatter [tilespmem:s13], [sflag:$0x2], $0x278, $0x38;
	[tilespmem:$0x5578] =	vst v63  }
0x34: {  	_ =	swait.ge [sflag:s14], $0x278  }
0x35: {  	[sflag:s14] =	ssyncset.done $0x0  }
0x36: {  	[sflag:s14] =	ssyncadd.s32 $0xFFFFFD88  }
0x37: {  	_ =	swait.ge [sflag:s15], $0x80  }
0x38: {  	[sflag:s15] =	ssyncset.done $0x0  }
0x39: {  	[sflag:s15] =	ssyncadd.s32 $0xFFFFFF80  }
.Ltmp2:
0x3a: {  	_ =	swait.ge [sflag:s15], $0x5000;
	(pc) =	sbr.rel @p0 .LBB2_7-.Ltmp2, $3  }
0x3b: {  	[sflag:s15] =	ssyncset.done $0x0  }
0x3c: {  	[sflag:s15] =	ssyncadd.s32 $0xFFFFB000  }
0x3d: {  	[bflag:$0x0] =	sbarrier.arrive $0xFFFF;
	_ =	sdelay $0x1  }
0x3e: {  	s18 =	sadd.s32 $0x1, s11  }
0x3f: {  	p2 =	seq.s32 s18, $0x0  }
.Ltmp3:
0x40: {  	_ = 	snop;
	(pc) =	sbr.rel @p2 .LBB2_4-.Ltmp3, $3  }
0x41: {  	_ =	sdelay $0x1  }
0x42: {  	[spmem:s1] =	stream.indirect.scatter.add.f32 [tilespmem:s12], [sflag:$0x1], $0x1, s16, s16, $0xb8;
	[tilespmem:$0x5578] =	vst v63  }
0x43: {  	s19 =	simm.s32 $0x80  }
.LBB2_3:
0x44: {  	s18 =	sadd.s32 $0x1, s18  }
0x45: {  	p2 =	seq.s32 s18, $0x0  }
.Ltmp4:
0x46: {  	_ = 	snop;
	(pc) =	sbr.rel @!p2 .LBB2_3-.Ltmp4, $3  }
0x47: {  	_ = 	snop  }
0x48: {  	s19 =	sadd.s32 $0x100, s19;
	_ =	sdelay $0x1  }
0x49: {  	[spmem:s1] =	stream.indirect.scatter.add.f32 [tilespmem:s12], [sflag:$0x1], $0x1, s19, s16, $0xb8;
	[tilespmem:$0x5578] =	vst v63  }
.LBB2_4:
0x4a: {  	s18 =	sadd.s32 $0x1, s11  }
0x4b: {  	p2 =	seq.s32 s18, $0x0  }
.Ltmp5:
0x4c: {  	_ = 	snop;
	(pc) =	sbr.rel @p2 .LBB2_6-.Ltmp5, $3  }
0x4d: {  	_ =	sdelay $0x1  }
0x4e: {  	_ =	swait.ge [sflag:s15], $0x80  }
0x4f: {  	[sflag:s15] =	ssyncset.done $0x0  }
.LBB2_5:
0x50: {  	s18 =	sadd.s32 $0x1, s18  }
0x51: {  	[sflag:s15] =	ssyncadd.s32 $0xFFFFFF80;
	p2 =	seq.s32 s18, $0x0  }
.Ltmp6:
0x52: {  	(pc) =	sbr.rel @!p2 .LBB2_5-.Ltmp6, $3  }
0x53: {  	_ =	sdelay $0x1  }
0x54: {  	_ =	swait.ge [sflag:s15], $0x80  }
0x55: {  	[sflag:s15] =	ssyncset.done $0x0  }
.Ltmp7:
0x56: {  	_ = 	snop;
	(pc) =	sbr.rel .LBB2_6-.Ltmp7, $1  }
0x57: {  	_ =	sdelay $0x3  }
.LBB2_8:
0x58: {  	_ =	sfence.sel $0x180000  }
0x59: {  	[bflag:$0x0] =	sbarrier.arrive $0xFFFF  }
0x5a: {  	p0 =	sne.s32 s2, $0x0;
	_ =	strace $0x90000047  }
0x5b: {  	s0 =	sadd.s32 @!p0 $0x100000, s0;
	[bflag:$0x2] =	sbarrier.arrive $0xFFFF  }
0x5c: {  	[sflag:s0] =	ssyncadd.tile.s32 @!p0 $0x1;
	_ =	shalt  }
.Lfunc_end2:
_tile_overlayer_lowered:
.L_overlay_start_2:
0x5d: {  	(tag) =	ssettag $0x2  }
0x5e: {  	s0 =	rddreg [dreg:$0x0];
	s2 =	stileid.u32  }
0x5f: {  	s1 =	rddreg [dreg:$0x1];
	p0 =	sne.s32 s2, $0x0  }
0x60: {  	s3 =	rddreg [dreg:$0x2];
	[bflag:$0x3] =	sbarrier.arrive $0xFFFF;
	s2 =	simm.s32 @!p0 $0x1C02  }
0x61: {  	[timem:s3], [sflag:s2] =	dma.local @!p0 [hbm:s0], s1  }
0x62: {  	s0 =	simm.s32 @!p0 $0x2  }
0x63: {  	_ =	swait.ge @!p0 [sflag:s0], s1  }
0x64: {  	s1 =	ssub.s32 @!p0 $0x0, s1;
	[sflag:s0] =	ssyncset.done @!p0 $0x0  }
0x65: {  	[sflag:s0] =	ssyncadd.s32 @!p0 s1  }
0x66: {  	[bflag:$0x3] =	sbarrier.arrive $0xFFFF  }
0x67: {  	_ =	shalt  }

</sc_bundles>
